<compile_context>
chip_gen: v7x
topology: tpu7x:2x2x1
jax: 0.10.2.dev20260603
libtpu: 0.0.44.dev20260713+nightly
codegen_flags: <defaults>
</compile_context>

<pallas_src>
import functools

import jax
import jax.numpy as jnp
from jax import lax
from jax.experimental import pallas as pl
from jax.experimental.pallas import tpu as pltpu
from jax.experimental.pallas import tpu_sc as plsc

VOCAB = 1000000
EMBED = 64
BATCH = 16384

L = 16
NC = 2
NS = 16
NW = NC * NS
BPW = BATCH // NW
SUB = 128
NSUB = BPW // SUB

_LN2 = 0.6931471805599453
_SQRT2 = 1.4142135623730951


def _vlog(x):
    bits = lax.bitcast_convert_type(x, jnp.int32)
    e = lax.shift_right_arithmetic(bits, 23) - 127
    m = lax.bitcast_convert_type(
        (bits & 0x7FFFFF) | 0x3F800000, jnp.float32)
    big = m >= _SQRT2
    m = jnp.where(big, m * 0.5, m)
    e = (e + jnp.where(big, 1, 0)).astype(jnp.float32)
    t = (m - 1.0) / (m + 1.0)
    t2 = t * t
    p = 1.0 + t2 * (1 / 3 + t2 * (1 / 5 + t2 * (1 / 7 + t2 * (1 / 9))))
    lnm = 2.0 * t * p
    return jnp.where(x <= 0.0, -jnp.inf, e * _LN2 + lnm)


def _tec_body(i_hbm, k_hbm, x_hbm, w_hbm, W_hbm, out_hbm,
              idx_i, idx_k, wi_b, wk_b, xv, wv, accv, sem0, sem1):
    wid = lax.axis_index("s") * NC + lax.axis_index("c")
    base = pl.multiple_of(wid * BPW, BPW)

    pltpu.sync_copy(i_hbm.at[pl.ds(base, BPW)], idx_i)
    pltpu.sync_copy(k_hbm.at[pl.ds(base, BPW)], idx_k)
    pltpu.sync_copy(x_hbm.at[pl.ds(base, BPW)], xv)
    pltpu.sync_copy(w_hbm.at[pl.ds(base, BPW)], wv)

    def fire(s, buf, sem):
        soff = s * SUB

        def one(g, _):
            gv = pl.multiple_of(g * L, L)
            iv = idx_i[pl.ds(soff + gv, L)]
            kv = idx_k[pl.ds(soff + gv, L)]
            for b in range(L):
                p = gv + b
                pltpu.async_copy(W_hbm.at[pl.ds(iv[b], 1)],
                                 wi_b.at[buf].at[pl.ds(p, 1)], sem)
                pltpu.async_copy(W_hbm.at[pl.ds(kv[b], 1)],
                                 wk_b.at[buf].at[pl.ds(p, 1)], sem)
            return 0

        lax.fori_loop(0, SUB // L, one, 0)

    def drain(buf, sem):
        pltpu.make_async_copy(W_hbm.at[pl.ds(0, SUB)], wi_b.at[buf],
                              sem).wait()
        pltpu.make_async_copy(W_hbm.at[pl.ds(0, SUB)], wk_b.at[buf],
                              sem).wait()

    lane = lax.iota(jnp.int32, L)
    fire(0, 0, sem0)
    acc = jnp.zeros((L,), jnp.float32)
    for s in range(NSUB):
        buf = s % 2
        drain(buf, sem0 if buf == 0 else sem1)
        if s + 1 < NSUB:
            fire(s + 1, 1 - buf, sem1 if buf == 0 else sem0)

        def group(g, a, s=s, buf=buf):
            sims = jnp.zeros((L,), jnp.float32)
            for b in range(L):
                p = g * L + b
                pr = None
                for c in range(EMBED // L):
                    ai = wi_b[buf, p, pl.ds(c * L, L)]
                    ak = wk_b[buf, p, pl.ds(c * L, L)]
                    pr = ai * ak if pr is None else pr + ai * ak
                sims = jnp.where(lane == b, jnp.sum(pr), sims)
            gb = pl.multiple_of(s * SUB + g * L, L)
            x16 = xv[pl.ds(gb, L)]
            w16 = wv[pl.ds(gb, L)]
            r = sims - _vlog(x16)
            return a + r * r * w16 * 0.5

        acc = lax.fori_loop(0, SUB // L, group, acc)

    accv[...] = acc
    pltpu.sync_copy(accv, out_hbm.at[wid])


def _bias_body(i_hbm, k_hbm, x_hbm, bu_hbm, bv_hbm, out_hbm,
               idx_i, idx_k, bub, bvb, xvb, xob, semb):
    wid = lax.axis_index("s") * NC + lax.axis_index("c")
    base = pl.multiple_of(wid * BPW, BPW)
    pltpu.sync_copy(i_hbm.at[pl.ds(base, BPW)], idx_i)
    pltpu.sync_copy(k_hbm.at[pl.ds(base, BPW)], idx_k)
    c1 = pltpu.async_copy(bu_hbm.at[idx_i], bub, semb)
    c2 = pltpu.async_copy(bv_hbm.at[idx_k], bvb, semb)
    pltpu.sync_copy(x_hbm.at[pl.ds(base, BPW)], xvb)
    c1.wait()
    c2.wait()

    def group(g, _):
        gb = pl.multiple_of(g * L, L)
        sl = pl.ds(gb, L)
        xob[sl] = xvb[sl] * jnp.exp(-(bub[sl] + bvb[sl]))
        return 0

    lax.fori_loop(0, BPW // L, group, 0)
    pltpu.sync_copy(xob, out_hbm.at[pl.ds(base, BPW)])


@jax.jit
def _bias_sc(i, k, x_ik, bu, bv):
    mesh = plsc.VectorSubcoreMesh(core_axis_name="c", subcore_axis_name="s")
    f = functools.partial(
        pl.kernel,
        mesh=mesh,
        compiler_params=pltpu.CompilerParams(
            needs_layout_passes=False, use_tc_tiling_on_sc=False),
        out_type=jax.ShapeDtypeStruct((BATCH,), jnp.float32),
        scratch_types=[
            pltpu.VMEM((BPW,), jnp.int32),
            pltpu.VMEM((BPW,), jnp.int32),
            pltpu.VMEM((BPW,), jnp.float32),
            pltpu.VMEM((BPW,), jnp.float32),
            pltpu.VMEM((BPW,), jnp.float32),
            pltpu.VMEM((BPW,), jnp.float32),
            pltpu.SemaphoreType.DMA,
        ],
    )(_bias_body)
    return f(i, k, x_ik, bu, bv)


@jax.jit
def _glove_sc(i, k, x_ik, w, W):
    mesh = plsc.VectorSubcoreMesh(core_axis_name="c", subcore_axis_name="s")
    f = functools.partial(
        pl.kernel,
        mesh=mesh,
        compiler_params=pltpu.CompilerParams(needs_layout_passes=False),
        out_type=jax.ShapeDtypeStruct((NW, L), jnp.float32),
        scratch_types=[
            pltpu.VMEM((BPW,), jnp.int32),
            pltpu.VMEM((BPW,), jnp.int32),
            pltpu.VMEM((2, SUB, EMBED), jnp.float32),
            pltpu.VMEM((2, SUB, EMBED), jnp.float32),
            pltpu.VMEM((BPW,), jnp.float32),
            pltpu.VMEM((BPW,), jnp.float32),
            pltpu.VMEM((L,), jnp.float32),
            pltpu.SemaphoreType.DMA,
            pltpu.SemaphoreType.DMA,
        ],
    )(_tec_body)
    return f(i, k, x_ik, w, W)


def kernel(i, k, x_ik, w, W, B_v, B_u):
    xb = _bias_sc(i, k, x_ik, B_u.reshape(VOCAB), B_v.reshape(VOCAB))
    partials = _glove_sc(i, k, xb, w, W)
    return jnp.sum(partials)

# --- scband reference (transcript-rebuilt; emitter-appended) ---
"""Pipeline reference for scband-glo-ve-model-33956011442350 (READ-ONLY COPY).

The authoritative reference and input builder live on the scoring server;
editing this copy changes nothing except your own understanding.
"""

import jax, jax.numpy as jnp
import numpy as np

VOCAB = 1000000
EMBED = 64
BATCH = 16384

def setup_inputs(seed: int = 0) -> dict:
    key = jax.random.key(seed)
    k1, k2, k3, k4, k5, k6, k7 = jax.random.split(key, 7)
    i = jax.random.randint(k1, (BATCH,), 0, VOCAB, dtype=jnp.int64 if jax.config.jax_enable_x64 else jnp.int32).astype(jnp.int32)
    kk = jax.random.randint(k2, (BATCH,), 0, VOCAB).astype(jnp.int32)
    x_ik = jax.random.uniform(k3, (BATCH,), dtype=jnp.float32)
    w = jax.random.uniform(k4, (BATCH,), dtype=jnp.float32)
    initrange = 0.5 / VOCAB
    W = jax.random.uniform(k5, (VOCAB, EMBED), minval=-initrange, maxval=initrange, dtype=jnp.float32)
    B_v = jax.random.uniform(k6, (VOCAB, 1), minval=-initrange, maxval=initrange, dtype=jnp.float32)
    B_u = jax.random.uniform(k7, (VOCAB, 1), minval=-initrange, maxval=initrange, dtype=jnp.float32)
    return {"i": i, "k": kk, "x_ik": x_ik, "w": w, "W": W, "B_v": B_v, "B_u": B_u}

def reference(i, k, x_ik, w, W, B_v, B_u):
    x = x_ik.astype(jnp.float32)
    # similarity = sum(W(i) * W(k), dim=1) -> [B]
    similarity = jnp.sum(jnp.take(W, i, axis=0) * jnp.take(W, k, axis=0), axis=1)
    # b_i = B_u(i).t() -> [1, B]; b_k = B_v(k).t() -> [1, B]
    b_i = jnp.take(B_u, i, axis=0).T
    b_k = jnp.take(B_v, k, axis=0).T
    loss = similarity + b_i + b_k - jnp.log(x)
    loss = loss * loss * w * 0.5
    # loss.sum().mean() on a scalar == loss.sum()
    return jnp.mean(jnp.sum(loss))

if __name__ == "__main__":
    import jax
    _d = setup_inputs()
    print(jax.jit(kernel)(*tuple(_d.values())))

</pallas_src>

<mosaic_0001>
#map = affine_map<(d0, d1) -> (0)>
module attributes {stable_mosaic.version = 14 : i64} {
  func.func @_bias_body(%arg0: i32, %arg1: i32, %arg2: memref<16384xi32, #tpu.memory_space<hbm>>, %arg3: memref<16384xi32, #tpu.memory_space<hbm>>, %arg4: memref<16384xf32, #tpu.memory_space<hbm>>, %arg5: memref<1000000xf32, #tpu.memory_space<hbm>>, %arg6: memref<1000000xf32, #tpu.memory_space<hbm>>, %arg7: memref<16384xf32, #tpu.memory_space<hbm>>, %arg8: memref<512xi32, #tpu.memory_space<vmem>>, %arg9: memref<512xi32, #tpu.memory_space<vmem>>, %arg10: memref<512xf32, #tpu.memory_space<vmem>>, %arg11: memref<512xf32, #tpu.memory_space<vmem>>, %arg12: memref<512xf32, #tpu.memory_space<vmem>>, %arg13: memref<512xf32, #tpu.memory_space<vmem>>, %arg14: memref<!tpu.dma_semaphore, #tpu.memory_space<semaphore_mem>>) attributes {dimension_semantics = [#tpu.dimension_semantics<core_parallel>, #tpu.dimension_semantics<subcore_parallel>], iteration_bounds = array<i64: 2, 16>, scalar_prefetch = 0 : i64, scratch_operands = 7 : i64, tpu.core_type = #tpu.core_type<sc_vector_subcore>, window_params = [{transform_indices = #map}, {transform_indices = #map}, {transform_indices = #map}, {transform_indices = #map}, {transform_indices = #map}, {transform_indices = #map}]} {
    %mul3A = arith.constant 2 : i32
    %mul3A_0 = arith.muli %arg1, %mul3A : i32
    %add3A = arith.addi %mul3A_0, %arg0 : i32
    %mul3A_1 = arith.constant 512 : i32
    %mul3A_2 = arith.muli %add3A, %mul3A_1 : i32
    %multiple_of3A = tpu.assume_multiple %mul3A_2, 512 : i32
    "tpu.region"() ({
      %run_scoped3A = tpu.sem_alloc : memref<!tpu.dma_semaphore, #tpu.memory_space<semaphore_mem>>
      %dma_start3A_15 = tpu.memref_slice %arg2[%multiple_of3A] : memref<16384xi32, #tpu.memory_space<hbm>> -> memref<512xi32, #tpu.memory_space<hbm>>
      %dma_start3A_16 = tpu.memref_slice %arg2[%multiple_of3A] : memref<16384xi32, #tpu.memory_space<hbm>> -> memref<512xi32, #tpu.memory_space<hbm>>
      tpu.enqueue_dma source(%dma_start3A_16 : memref<512xi32, #tpu.memory_space<hbm>>) target(%arg8 : memref<512xi32, #tpu.memory_space<vmem>>) target_semaphore(%run_scoped3A : memref<!tpu.dma_semaphore, #tpu.memory_space<semaphore_mem>>)
      %dma_wait3A_17 = tpu.memref_slice %arg2[%multiple_of3A] : memref<16384xi32, #tpu.memory_space<hbm>> -> memref<512xi32, #tpu.memory_space<hbm>>
      %dma_wait3A_18 = tpu.memref_slice %arg2[%multiple_of3A] : memref<16384xi32, #tpu.memory_space<hbm>> -> memref<512xi32, #tpu.memory_space<hbm>>
      tpu.wait_dma2 semaphore(%run_scoped3A : memref<!tpu.dma_semaphore, #tpu.memory_space<semaphore_mem>>) src(%dma_wait3A_18 : memref<512xi32, #tpu.memory_space<hbm>>) dst(%arg8 : memref<512xi32, #tpu.memory_space<vmem>>)
      tpu.yield
    }) : () -> ()
    "tpu.region"() ({
      %run_scoped3A = tpu.sem_alloc : memref<!tpu.dma_semaphore, #tpu.memory_space<semaphore_mem>>
      %dma_start3A_15 = tpu.memref_slice %arg3[%multiple_of3A] : memref<16384xi32, #tpu.memory_space<hbm>> -> memref<512xi32, #tpu.memory_space<hbm>>
      %dma_start3A_16 = tpu.memref_slice %arg3[%multiple_of3A] : memref<16384xi32, #tpu.memory_space<hbm>> -> memref<512xi32, #tpu.memory_space<hbm>>
      tpu.enqueue_dma source(%dma_start3A_16 : memref<512xi32, #tpu.memory_space<hbm>>) target(%arg9 : memref<512xi32, #tpu.memory_space<vmem>>) target_semaphore(%run_scoped3A : memref<!tpu.dma_semaphore, #tpu.memory_space<semaphore_mem>>)
      %dma_wait3A_17 = tpu.memref_slice %arg3[%multiple_of3A] : memref<16384xi32, #tpu.memory_space<hbm>> -> memref<512xi32, #tpu.memory_space<hbm>>
      %dma_wait3A_18 = tpu.memref_slice %arg3[%multiple_of3A] : memref<16384xi32, #tpu.memory_space<hbm>> -> memref<512xi32, #tpu.memory_space<hbm>>
      tpu.wait_dma2 semaphore(%run_scoped3A : memref<!tpu.dma_semaphore, #tpu.memory_space<semaphore_mem>>) src(%dma_wait3A_18 : memref<512xi32, #tpu.memory_space<hbm>>) dst(%arg9 : memref<512xi32, #tpu.memory_space<vmem>>)
      tpu.yield
    }) : () -> ()
    %dma_start3A = arith.constant 0 : i32
    %dma_start3A_3 = tpu.memref_slice %arg5[%dma_start3A] : memref<1000000xf32, #tpu.memory_space<hbm>> -> memref<1000000xf32, #tpu.memory_space<hbm>>
    tpu.enqueue_indirect_dma source(%dma_start3A_3 : memref<1000000xf32, #tpu.memory_space<hbm>>) target(%arg10 : memref<512xf32, #tpu.memory_space<vmem>>) offsets(%arg8 : memref<512xi32, #tpu.memory_space<vmem>>) semaphore(%arg14 : memref<!tpu.dma_semaphore, #tpu.memory_space<semaphore_mem>>)
    %dma_start3A_4 = arith.constant 0 : i32
    %dma_start3A_5 = tpu.memref_slice %arg6[%dma_start3A_4] : memref<1000000xf32, #tpu.memory_space<hbm>> -> memref<1000000xf32, #tpu.memory_space<hbm>>
    tpu.enqueue_indirect_dma source(%dma_start3A_5 : memref<1000000xf32, #tpu.memory_space<hbm>>) target(%arg11 : memref<512xf32, #tpu.memory_space<vmem>>) offsets(%arg9 : memref<512xi32, #tpu.memory_space<vmem>>) semaphore(%arg14 : memref<!tpu.dma_semaphore, #tpu.memory_space<semaphore_mem>>)
    "tpu.region"() ({
      %run_scoped3A = tpu.sem_alloc : memref<!tpu.dma_semaphore, #tpu.memory_space<semaphore_mem>>
      %dma_start3A_15 = tpu.memref_slice %arg4[%multiple_of3A] : memref<16384xf32, #tpu.memory_space<hbm>> -> memref<512xf32, #tpu.memory_space<hbm>>
      %dma_start3A_16 = tpu.memref_slice %arg4[%multiple_of3A] : memref<16384xf32, #tpu.memory_space<hbm>> -> memref<512xf32, #tpu.memory_space<hbm>>
      tpu.enqueue_dma source(%dma_start3A_16 : memref<512xf32, #tpu.memory_space<hbm>>) target(%arg12 : memref<512xf32, #tpu.memory_space<vmem>>) target_semaphore(%run_scoped3A : memref<!tpu.dma_semaphore, #tpu.memory_space<semaphore_mem>>)
      %dma_wait3A_17 = tpu.memref_slice %arg4[%multiple_of3A] : memref<16384xf32, #tpu.memory_space<hbm>> -> memref<512xf32, #tpu.memory_space<hbm>>
      %dma_wait3A_18 = tpu.memref_slice %arg4[%multiple_of3A] : memref<16384xf32, #tpu.memory_space<hbm>> -> memref<512xf32, #tpu.memory_space<hbm>>
      tpu.wait_dma2 semaphore(%run_scoped3A : memref<!tpu.dma_semaphore, #tpu.memory_space<semaphore_mem>>) src(%dma_wait3A_18 : memref<512xf32, #tpu.memory_space<hbm>>) dst(%arg12 : memref<512xf32, #tpu.memory_space<vmem>>)
      tpu.yield
    }) : () -> ()
    %dma_wait3A = arith.constant 0 : i32
    %dma_wait3A_6 = tpu.memref_slice %arg5[%dma_wait3A] : memref<1000000xf32, #tpu.memory_space<hbm>> -> memref<1000000xf32, #tpu.memory_space<hbm>>
    tpu.wait_indirect_dma semaphore(%arg14 : memref<!tpu.dma_semaphore, #tpu.memory_space<semaphore_mem>>) src(%dma_wait3A_6 : memref<1000000xf32, #tpu.memory_space<hbm>>) dst(%arg10 : memref<512xf32, #tpu.memory_space<vmem>>)
    %dma_wait3A_7 = arith.constant 0 : i32
    %dma_wait3A_8 = tpu.memref_slice %arg6[%dma_wait3A_7] : memref<1000000xf32, #tpu.memory_space<hbm>> -> memref<1000000xf32, #tpu.memory_space<hbm>>
    tpu.wait_indirect_dma semaphore(%arg14 : memref<!tpu.dma_semaphore, #tpu.memory_space<semaphore_mem>>) src(%dma_wait3A_8 : memref<1000000xf32, #tpu.memory_space<hbm>>) dst(%arg11 : memref<512xf32, #tpu.memory_space<vmem>>)
    %scan3A = arith.constant 0 : i32
    %scan3A_9 = arith.constant 0 : i32
    %scan3A_10 = arith.constant 32 : i32
    %scan3A_11 = arith.addi %scan3A_9, %scan3A_10 : i32
    %scan3A_12 = arith.constant 1 : i32
    %scan3A_13 = scf.for %scan3A_15 = %scan3A_9 to %scan3A_11 step %scan3A_12 iter_args(%scan3A_16 = %scan3A) -> (i32)  : i32 {
      %mul3A_17 = arith.constant 16 : i32
      %mul3A_18 = arith.muli %scan3A_15, %mul3A_17 : i32
      %multiple_of3A_19 = tpu.assume_multiple %mul3A_18, 16 : i32
      %get3A = arith.index_cast %multiple_of3A_19 : i32 to index
      %get3A_20 = tpu.vector_load %arg12[%get3A] {strides = array<i32>} : memref<512xf32, #tpu.memory_space<vmem>>, vector<16xf32>,
      %get3A_21 = arith.index_cast %multiple_of3A_19 : i32 to index
      %get3A_22 = tpu.vector_load %arg10[%get3A_21] {strides = array<i32>} : memref<512xf32, #tpu.memory_space<vmem>>, vector<16xf32>,
      %get3A_23 = arith.index_cast %multiple_of3A_19 : i32 to index
      %get3A_24 = tpu.vector_load %arg11[%get3A_23] {strides = array<i32>} : memref<512xf32, #tpu.memory_space<vmem>>, vector<16xf32>,
      %add3A_25 = arith.addf %get3A_22, %get3A_24 : vector<16xf32>
      %neg3A = arith.constant 0.000000e+00 : f32
      %neg3A_26 = vector.broadcast %neg3A : f32 to vector<16xf32>
      %neg3A_27 = arith.subf %neg3A_26, %add3A_25 : vector<16xf32>
      %exp3A = math.exp %neg3A_27 : vector<16xf32>
      %mul3A_28 = arith.mulf %get3A_20, %exp3A : vector<16xf32>
      %swap3A = arith.index_cast %multiple_of3A_19 : i32 to index
      %swap3A_29 = tpu.vector_load %arg13[%swap3A] {strides = array<i32>} : memref<512xf32, #tpu.memory_space<vmem>>, vector<16xf32>,
      tpu.vector_store %arg13[%swap3A], %mul3A_28 {strides = array<i32>} : memref<512xf32, #tpu.memory_space<vmem>>, vector<16xf32>,
      %scan3A_30 = arith.constant 0 : i32
      scf.yield %scan3A_30 : i32
    }
    %scan3A_14 = arith.constant 32 : i32
    "tpu.region"() ({
      %run_scoped3A = tpu.sem_alloc : memref<!tpu.dma_semaphore, #tpu.memory_space<semaphore_mem>>
      %dma_start3A_15 = tpu.memref_slice %arg7[%multiple_of3A] : memref<16384xf32, #tpu.memory_space<hbm>> -> memref<512xf32, #tpu.memory_space<hbm>>
      %dma_start3A_16 = tpu.memref_slice %arg7[%multiple_of3A] : memref<16384xf32, #tpu.memory_space<hbm>> -> memref<512xf32, #tpu.memory_space<hbm>>
      tpu.enqueue_dma source(%arg13 : memref<512xf32, #tpu.memory_space<vmem>>) target(%dma_start3A_16 : memref<512xf32, #tpu.memory_space<hbm>>) target_semaphore(%run_scoped3A : memref<!tpu.dma_semaphore, #tpu.memory_space<semaphore_mem>>)
      %dma_wait3A_17 = tpu.memref_slice %arg7[%multiple_of3A] : memref<16384xf32, #tpu.memory_space<hbm>> -> memref<512xf32, #tpu.memory_space<hbm>>
      %dma_wait3A_18 = tpu.memref_slice %arg7[%multiple_of3A] : memref<16384xf32, #tpu.memory_space<hbm>> -> memref<512xf32, #tpu.memory_space<hbm>>
      tpu.wait_dma2 semaphore(%run_scoped3A : memref<!tpu.dma_semaphore, #tpu.memory_space<semaphore_mem>>) src(%arg13 : memref<512xf32, #tpu.memory_space<vmem>>) dst(%dma_wait3A_18 : memref<512xf32, #tpu.memory_space<hbm>>)
      tpu.yield
    }) : () -> ()
    return
  }
}

</mosaic_0001>

<sc_bundles>
// kernel: _bias_sc.3.cloned.1.call-start
scs
__scs_entry_jumppad:
0x0: {  	(pc) =	sbr.rel $0x88, $3  }
0x1: {  	(tag) =	ssettag $0x0;
	lr =	simm.s32 $0x1  }
0x2: {  	[smem:$0x3F9C] =	sst lr;
	_ =	strace $0xD0000000  }
0x3: {  	_ = 	snop  }
0x4: {  	_ = 	snop  }
0x5: {  	_ = 	snop  }
0x6: {  	_ = 	snop  }
0x7: {  	_ = 	snop  }
__scs_overlays_trampoline_lowered:
0x8: {  	[smem:$0x3FAB] =	sst s0  }
0x9: {  	[smem:$0x3FAC] =	sst s1  }
0xa: {  	[smem:$0x3FAD] =	sst s2  }
0xb: {  	[smem:$0x3FAE] =	sst s3  }
0xc: {  	[smem:$0x3FAF] =	sst s4  }
0xd: {  	[smem:$0x3FB0] =	sst s5  }
0xe: {  	[smem:$0x3FB1] =	sst s6  }
0xf: {  	[smem:$0x3FB2] =	sst s7  }
0x10: {  	[smem:$0x3FB3] =	sst s8  }
0x11: {  	[smem:$0x3FB4] =	sst s9;
	s0 =	simm.s32 @!p0 $0x0  }
0x12: {  	s1 =	sld [smem:$0x3F9A];
	s0 =	simm.s32 @p0 $0x1  }
0x13: {  	[smem:$0x3FB5] =	sst s0;
	s0 =	simm.s32 @!p1 $0x0  }
0x14: {  	s2 =	sld [smem:$0x3F99];
	s0 =	simm.s32 @p1 $0x1  }
0x15: {  	[smem:$0x3FB6] =	sst s0;
	s0 =	simm.s32 @!p2 $0x0  }
0x16: {  	s3 =	sld [smem:$0x3FDB];
	s0 =	simm.s32 @p2 $0x1  }
0x17: {  	s4 =	simm.s32 $0x1BF5;
	[smem:$0x3FB8] =	sst s0  }
0x18: {  	s0 =	sld [smem:$0x3F9B];
	_ =	swait.ge [sflag:s4], $0x0  }
0x19: {  	s7 =	sld [smem:$0x3F9C]  }
0x1a: {  	s8 =	sadd.s32 $0xFFFFE003, lr  }
0x1b: {  	s9 =	sadd.s32 $0xFFFFFEF7, lr;
	s5 =	simm.s32 $0xFFFFFFFF;
	p2 =	slt.u32 s8, $0xFFFFF086  }
0x1c: {  	p1 =	slt.u32 s9, $0xF7A;
	s5 =	simm.s32 @!p2 $0x0  }
0x1d: {  	s5 =	simm.s32 @p1 $0x1;
	p0 =	seq.s32 s7, s2  }
0x1e: {  	s7 =	smul.u32 @!p0 $0xF7A, s2;
	p2 =	seq.s32 @!p0 s5, $0x0  }
0x1f: {  	s9 =	smul.u32 $0xF7A, s1;
	s8 =	simm.s32 @!p0 $0x1BF5;
	p2 =	por !p2, p0  }
0x20: {  	[sflag:s8] =	ssyncset.s32 @!p0 $0xFFFFF086;
	s6 =	sadd.s32 @!p0 s3, s7;
	s7 =	simm.s32 @!p0 $0x108  }
0x21: {  	s3 =	sadd.s32 s3, s9;
	s6 =	sadd.s32 @!p0 $0x88, s6;
	s7 =	simm.s32 @p2 $0x1082  }
0x22: {  	[simem:s7], [sflag:s8] =	dma.local @!p0 [hbm:s6], $0xF7A  }
0x23: {  	s9 =	sor.u32 $0xD0000000, s2;
	s6 =	simm.s32 $0x108;
	_ =	swait.ge @!p0 [sflag:s8], $0x0  }
0x24: {  	s3 =	sadd.s32 $0x88, s3;
	s6 =	simm.s32 @!p1 $0x1082;
	[sflag:s4] =	ssyncset.s32 $0xFFFFF086  }
0x25: {  	[simem:s6], [sflag:s4] =	dma.local [hbm:s3], $0xF7A  }
0x26: {  	[smem:$0x3F9C] =	sst s1;
	(tag) =	ssettag s2;
	_ =	strace s9  }
0x27: {  	s1 =	sld [smem:$0x3FAC]  }
0x28: {  	s2 =	sld [smem:$0x3FAD]  }
0x29: {  	s4 =	sld [smem:$0x3FAF]  }
0x2a: {  	p0 =	seq.s32 s5, $0x0;
	s5 =	sld [smem:$0x3FB0]  }
0x2b: {  	s6 =	sld [smem:$0x3FB1]  }
0x2c: {  	s7 =	sld [smem:$0x3FB2]  }
0x2d: {  	s3 =	simm.s32 $0x108;
	s8 =	sld [smem:$0x3FB3]  }
0x2e: {  	s3 =	simm.s32 @!p0 $0x1082;
	s9 =	sld [smem:$0x3FB4]  }
0x2f: {  	lr =	sadd.s32 s0, s3;
	s0 =	sld [smem:$0x3FAB]  }
0x30: {  	s3 =	sld [smem:$0x3FAE]  }
0x31: {  	[smem:$0x3FB7] =	sst s10  }
0x32: {  	s10 =	sld [smem:$0x3FB5];
	_ =	sdelay $0x3  }
0x33: {  	p0 =	seq.s32 s10, $0x1;
	s10 =	sld [smem:$0x3FB7];
	_ =	sdelay $0x3  }
0x34: {  	[smem:$0x3FB7] =	sst s10  }
0x35: {  	s10 =	sld [smem:$0x3FB6];
	_ =	sdelay $0x3  }
0x36: {  	p1 =	seq.s32 s10, $0x1;
	s10 =	sld [smem:$0x3FB7];
	_ =	sdelay $0x3  }
0x37: {  	[smem:$0x3FB7] =	sst s10  }
0x38: {  	s10 =	sld [smem:$0x3FB8]  }
0x39: {  	_ = 	snop;
	(pc) =	sbr.ind lr, $3  }
0x3a: {  	_ = 	snop  }
0x3b: {  	_ = 	snop  }
0x3c: {  	p2 =	seq.s32 s10, $0x1;
	s10 =	sld [smem:$0x3FB7]  }
0x3d: {  	_ =	shalt  }
0x3e: {  	_ =	shalt  }
0x3f: {  	_ =	shalt  }
0x40: {  	_ =	shalt  }
0x41: {  	_ =	shalt  }
0x42: {  	_ =	shalt  }
0x43: {  	_ =	shalt  }
0x44: {  	_ =	shalt  }
0x45: {  	_ =	shalt  }
0x46: {  	_ =	shalt  }
0x47: {  	_ =	shalt  }
0x48: {  	_ =	shalt  }
0x49: {  	_ =	shalt  }
0x4a: {  	_ =	shalt  }
0x4b: {  	_ =	shalt  }
0x4c: {  	_ =	shalt  }
0x4d: {  	_ =	shalt  }
0x4e: {  	_ =	shalt  }
0x4f: {  	_ =	shalt  }
0x50: {  	_ =	shalt  }
0x51: {  	_ =	shalt  }
0x52: {  	_ =	shalt  }
0x53: {  	_ =	shalt  }
0x54: {  	_ =	shalt  }
0x55: {  	_ =	shalt  }
0x56: {  	_ =	shalt  }
0x57: {  	_ =	shalt  }
0x58: {  	_ =	shalt  }
0x59: {  	_ =	shalt  }
0x5a: {  	_ =	shalt  }
0x5b: {  	_ =	shalt  }
0x5c: {  	_ =	shalt  }
0x5d: {  	_ =	shalt  }
0x5e: {  	_ =	shalt  }
0x5f: {  	_ =	shalt  }
0x60: {  	_ =	shalt  }
0x61: {  	_ =	shalt  }
0x62: {  	_ =	shalt  }
0x63: {  	_ =	shalt  }
0x64: {  	_ =	shalt  }
0x65: {  	_ =	shalt  }
0x66: {  	_ =	shalt  }
0x67: {  	_ =	shalt  }
0x68: {  	_ =	shalt  }
0x69: {  	_ =	shalt  }
0x6a: {  	_ =	shalt  }
0x6b: {  	_ =	shalt  }
0x6c: {  	_ =	shalt  }
0x6d: {  	_ =	shalt  }
0x6e: {  	_ =	shalt  }
0x6f: {  	_ =	shalt  }
0x70: {  	_ =	shalt  }
0x71: {  	_ =	shalt  }
0x72: {  	_ =	shalt  }
0x73: {  	_ =	shalt  }
0x74: {  	_ =	shalt  }
0x75: {  	_ =	shalt  }
0x76: {  	_ =	shalt  }
0x77: {  	_ =	shalt  }
0x78: {  	_ =	shalt  }
0x79: {  	_ =	shalt  }
0x7a: {  	_ =	shalt  }
0x7b: {  	_ =	shalt  }
0x7c: {  	_ =	shalt  }
0x7d: {  	_ =	shalt  }
0x7e: {  	_ =	shalt  }
0x7f: {  	_ =	shalt  }
0x80: {  	_ =	shalt  }
0x81: {  	_ =	shalt  }
0x82: {  	_ =	shalt  }
0x83: {  	_ =	shalt  }
0x84: {  	_ =	shalt  }
0x85: {  	_ =	shalt  }
0x86: {  	_ =	shalt  }
0x87: {  	_ =	shalt  }
.Lfunc_end0:
.L_simem_size_0:
called_computation_lowered:
.L_overlay_start_0:
0x88: {  	s2 =	sld [smem:$0x3FD9]  }
0x89: {  	s3 =	sld [smem:$0x3FFE];
	_ =	sdelay $0x1  }
0x8a: {  	s1 =	srdreg.scid  }
0x8b: {  	s0 =	sand.u32 $0x1, s1  }
0x8c: {  	s18 =	sshll.u32 s0, $0xA;
	s2 =	sadd.s32 s3, s2  }
0x8d: {  	s2 =	sadd.s32 s2, s18  }
0x8e: {  	[smem:$0x3FC3] =	sst s2  }
0x8f: {  	_ = 	snop  }
0x90: {  	s2 =	sld [smem:$0x3FC9]  }
0x91: {  	s19 =	sld [smem:$0x3FC8]  }
0x92: {  	s4 =	sld [smem:$0x3FC7]  }
0x93: {  	s5 =	sld [smem:$0x3FC6]  }
0x94: {  	s6 =	sld [smem:$0x3FC5]  }
0x95: {  	s7 =	sld [smem:$0x3FD0];
	(tm) =	ssettm $0x1  }
0x96: {  	s8 =	sld [smem:$0x3FFB];
	_ =	sdelay $0x3  }
0x97: {  	_ =	strace s8  }
0x98: {  	s8 =	sld [smem:$0x3FFC];
	_ =	sdelay $0x3  }
0x99: {  	_ =	strace s8  }
0x9a: {  	s8 =	sld [smem:$0x3FFD];
	_ =	sdelay $0x3  }
0x9b: {  	_ =	strace s8  }
0x9c: {  	_ =	strace $0x8FFFFFFF  }
0x9d: {  	s20 =	sld [smem:$0x3FDB];
	_ =	sdelay $0x1  }
0x9e: {  	s9 =	simm.s32 $_scs_section_size  }
0x9f: {  	s10 =	simm.s32 $_size__tile_overlayer_lowered;
	s11 =	simm.s32 $_tile_overlayer_lowered  }
0xa0: {  	s23 =	simm.s32 $0x1BFF;
	s22 =	sshll.u32 s11, $0x1;
	s8 =	sadd.s32 s9, s20  }
0xa1: {  	s12 =	simm.s32 $0x0;
	s21 =	sshll.u32 s10, $0x1;
	s10 =	sadd.s32 s22, s8  }
0xa2: {  	[timem:s12], [sflag:s23] =	dma.local [hbm:s10], s21  }
0xa3: {  	_ =	swait.ge [sflag:s23], s21  }
0xa4: {  	s9 =	ssub.s32 $0x0, s21;
	[sflag:s23] =	ssyncset.done $0x0  }
0xa5: {  	[sflag:s23] =	ssyncadd.s32 s9;
	_ =	sdelay $0x1  }
0xa6: {  	s24 =	simm.s32 $0x1B8B  }
0xa7: {  	_ =	swait.ge [sflag:s24], $0x1  }
0xa8: {  	[sflag:s24] =	ssyncset.done $0x0  }
0xa9: {  	s25 =	simm.s32 $0x1B8E;
	[sflag:s24] =	ssyncadd.s32 $0xFFFFFFFF  }
0xaa: {  	s26 =	simm.s32 $execute0_lowered;
	[smem:$0x3FD2] =	sst s25  }
0xab: {  	s9 =	sshll.u32 s26, $0x1;
	_ =	strace $0x80000046;
	[dreg:$0x1] =	wrdreg $0xFFFFFFFF  }
0xac: {  	s28 =	simm.s32 $_size_execute0_lowered;
	s8 =	sadd.s32 s8, s9;
	[dreg:$0x0] =	wrdreg $0x0  }
0xad: {  	s9 =	sshll.u32 s28, $0x1;
	[dreg:$0x2] =	wrdreg s8  }
0xae: {  	[dreg:$0x3] =	wrdreg s9  }
0xaf: {  	[dreg:$0x4] =	wrdreg $0xC0  }
0xb0: {  	_ =	task [dreg:s12], $0x5FFFF  }
0xb1: {  	[dreg:$0x1] =	wrdreg $0xFFFFFFFF  }
0xb2: {  	[dreg:$0x0] =	wrdreg $0x60  }
0xb3: {  	[dreg:$0x2] =	wrdreg s2  }
0xb4: {  	[dreg:$0x3] =	wrdreg s19  }
0xb5: {  	[dreg:$0x4] =	wrdreg s4  }
0xb6: {  	[dreg:$0x5] =	wrdreg s5  }
0xb7: {  	[dreg:$0x6] =	wrdreg s6  }
0xb8: {  	[dreg:$0x7] =	wrdreg s7  }
0xb9: {  	[dreg:$0x8] =	wrdreg $0x9  }
0xba: {  	_ =	task.clear_ibuf [dreg:s12], $0x9FFFF;
	_ =	strace $0x90000046  }
0xbb: {  	s29 =	simm.s32 $0x9;
	_ =	strace $0x80000048  }
0xbc: {  	_ =	swait.ge [sflag:s29], $0x1  }
0xbd: {  	[sflag:s29] =	ssyncadd.s32 $0xFFFFFFFF  }
0xbe: {  	_ =	strace $0x90000048  }
0xbf: {  	_ =	sfence  }
0xc0: {  	s30 =	sld [smem:$0x0];
	_ =	sdelay $0x2  }
0xc1: {  	s31 =	sshll.u32 s1, $0xD;
	s1 =	sshrl.u32 s1, $0x2  }
0xc2: {  	s3 =	sand.u32 $0x4000, s31;
	s1 =	sadd.s32 s1, s30  }
0xc3: {  	s0 =	sor.u32 s3, s0;
	s1 =	sshll.u32 s1, $0x11  }
0xc4: {  	s0 =	sor.u32 s1, s0  }
0xc5: {  	s0 =	sadd.s32 $0x8F2B, s0  }
0xc6: {  	[sflag:s0] =	ssyncadd.remote.s32 $0x1  }
0xc7: {  	_ =	sfence.sel $0xFFFF  }
0xc8: {  	[dreg:$0x0] =	wrdreg $0xFFFFFFFF;
	(pc) =	sbr.abs _section_cstart, $3  }
0xc9: {  	[dreg:$0x1] =	wrdreg $0xFFFFFFFF  }
0xca: {  	_ =	task.clear_ibuf [dreg:s12], $0x2FFFF;
	_ =	strace $0x9FFFFFFF  }
0xcb: {  	(tm) =	ssettm $0x7FFFFFFF  }
tec
execute0_lowered:
.L_overlay_start_1:
0x0: {  	(tag) =	ssettag $0x1  }
0x1: {  	s5 =	rddreg [dreg:$0x0]  }
0x2: {  	s6 =	rddreg [dreg:$0x1]  }
0x3: {  	s7 =	rddreg [dreg:$0x2]  }
0x4: {  	s1 =	rddreg [dreg:$0x3]  }
0x5: {  	s2 =	rddreg [dreg:$0x4]  }
0x6: {  	s8 =	rddreg [dreg:$0x5]  }
0x7: {  	s0 =	rddreg [dreg:$0x6];
	s9 =	srdreg.scid  }
0x8: {  	s4 =	simm.s32 $0x0;
	s3 =	stileid.u32;
	s13 =	simm.s32 $0x600  }
0x9: {  	s14 =	simm.s32 $0x800;
	s15 =	simm.s32 $0x1;
	s16 =	simm.s32 $0xA00  }
0xa: {  	s17 =	simm.s32 $0x0;
	s9 =	sand.u32 $0x1, s9;
	s11 =	sshll.u32 s3, $0x7  }
0xb: {  	[smem:$0x7FF] =	sst s4;
	s10 =	ssub.s32 $0x2, s9;
	s9 =	sshll.u32 s9, $0x6  }
0xc: {  	_ =	strace $0x80000047;
	s12 =	sshrl.u32 s10, $0x1;
	s9 =	sor.u32 s9, s11  }
0xd: {  	s11 =	simm.s32 $0x200;
	s10 =	ssub.s32 s10, s12;
	s5 =	sadd.s32 s5, s9  }
0xe: {  	s6 =	sadd.s32 s6, s9;
	s7 =	sadd.s32 s7, s9;
	s8 =	sadd.s32 s8, s9  }
0xf: {  	s12 =	simm.s32 $0x400;
	s9 =	smax.u32 s10, $0x1;
	s10 =	simm.s32 $0x2  }
.LBB2_1:
0x10: {  	[tilespmem:s4], [sflag:$0x2] =	stream.linear.gather [hbm4b:s5+s4], $0x200, $0x38;
	[tilespmem:$0xC00] =	vst v63  }
0x11: {  	_ =	swait.ge [sflag:s10], $0x200  }
0x12: {  	[sflag:s10] =	ssyncset.done $0x0  }
0x13: {  	[sflag:s10] =	ssyncadd.s32 $0xFFFFFE00  }
0x14: {  	[tilespmem:s11], [sflag:$0x2] =	stream.linear.gather [hbm4b:s6+s4], $0x200, $0x38;
	[tilespmem:$0xC00] =	vst v63  }
0x15: {  	_ =	swait.ge [sflag:s10], $0x200  }
0x16: {  	[sflag:s10] =	ssyncset.done $0x0  }
0x17: {  	[sflag:s10] =	ssyncadd.s32 $0xFFFFFE00  }
0x18: {  	[tilespmem:s12], [sflag:$0x1] =	stream.indirect.gather [hbm4b:s1+s11], $0x1, s4, s11, $0xb8;
	[tilespmem:$0xC00] =	vst v63  }
0x19: {  	_ = 	snop  }
0x1a: {  	[tilespmem:s13], [sflag:$0x1] =	stream.indirect.gather [hbm4b:s2+s11], $0x1, s11, s11, $0xb8;
	[tilespmem:$0xC00] =	vst v63  }
0x1b: {  	_ = 	snop  }
0x1c: {  	[tilespmem:s14], [sflag:$0x2] =	stream.linear.gather [hbm4b:s7+s4], $0x200, $0x38;
	[tilespmem:$0xC00] =	vst v63  }
0x1d: {  	_ =	swait.ge [sflag:s10], $0x200  }
0x1e: {  	[sflag:s10] =	ssyncset.done $0x0  }
0x1f: {  	[sflag:s10] =	ssyncadd.s32 $0xFFFFFE00  }
0x20: {  	_ =	swait.ge [sflag:s15], $0x200  }
0x21: {  	[sflag:s15] =	ssyncset.done $0x0  }
0x22: {  	[sflag:s15] =	ssyncadd.s32 $0xFFFFFE00  }
0x23: {  	_ =	swait.ge [sflag:s15], $0x200  }
0x24: {  	[sflag:s15] =	ssyncset.done $0x0  }
0x25: {  	s20 =	simm.s32 $0x0;
	[sflag:s15] =	ssyncadd.s32 $0xFFFFFE00  }
0x26: {  	v0 =	vld [tilespmem:s20+$0x400]  }
0x27: {  	v1 =	vld [tilespmem:s20+$0x600];
	_ =	sdelay $0x3  }
0x28: {  	s19 =	simm.s32 $0x10  }
0x29: {  	v2 =	vld [tilespmem:s19+$0x600];
	v0 =	vadd.f32 v1, v0  }
0x2a: {  	v1 =	vld [tilespmem:s19+$0x400]  }
0x2b: {  	v0 =	vsub.f32 $0.0e+00, v0;
	_ =	sdelay $0x1  }
0x2c: {  	s18 =	simm.s32 $0x20;
	v0 =	vmul.f32 $1.442695020e+00, v0  }
0x2d: {  	v3 =	vld [tilespmem:s18+$0x400]  }
0x2e: {  	v1 =	vadd.f32 v2, v1;
	(erf) = vpow2.f32 v0;
	v0 =	vld [tilespmem:s18+$0x600];
	_ =	sdelay $0x1  }
0x2f: {  	v1 =	vsub.f32 $0.0e+00, v1;
	_ =	sdelay $0x1  }
0x30: {  	v1 =	vmul.f32 $1.442695020e+00, v1  }
0x31: {  	s21 =	simm.s32 $0x30;
	v2 =	vld [tilespmem:s20+$0x800];
	v0 =	vadd.f32 v0, v3  }
0x32: {  	(erf) = vpow2.f32 v1;
	v1 =	vld [tilespmem:s21+$0x600]  }
0x33: {  	v3 =	vsub.f32 $0.0e+00, v0;
	v0 =	vld [tilespmem:s21+$0x400];
	_ =	sdelay $0x1  }
0x34: {  	v4 =	vpop (erf)  }
0x35: {  	s22 =	simm.s32 $0x100;
	v3 =	vmul.f32 $1.442695020e+00, v3;
	v2 =	vmul.f32 v4, v2  }
.LBB2_2:
0x36: {  	s23 =	sshra.s32 s22, $0x2;
	v4 =	vld [tilespmem:s19+$0x800];
	p0 =	sne.s32 s22, $0x7C0  }
.Ltmp0:
0x37: {  	s22 =	sadd.s32 $0x40, s22;
	v6 =	vadd.f32 v1, v0;
	v0 =	vld [tilespmem:s23+$0x400];
	(erf) = vpow2.f32 v3;
	[tilespmem:s20+$0xA00] =	vst v2;
	(pc) =	sbr.rel @p0 .LBB2_2-.Ltmp0, $4  }
0x38: {  	s20 =	smov.u32 s19;
	s19 =	smov.u32 s18;
	s18 =	smov.u32 s21;
	v1 =	vld [tilespmem:s23+$0x600]  }
0x39: {  	s21 =	smov.u32 s23;
	v2 =	vsub.f32 $0.0e+00, v6  }
0x3a: {  	v5 =	vpop (erf)  }
0x3b: {  	v3 =	vmul.f32 $1.442695020e+00, v2;
	v2 =	vmul.f32 v5, v4  }
0x3c: {  	_ = 	snop  }
0x3d: {  	v0 =	vadd.f32 v1, v0;
	_ =	sdelay $0x1  }
0x3e: {  	v0 =	vsub.f32 $0.0e+00, v0  }
0x3f: {  	v59 =	vld [tilespmem:s19+$0x800]  }
0x40: {  	v0 =	vmul.f32 $1.442695020e+00, v0  }
0x41: {  	(erf) = vpow2.f32 v3  }
0x42: {  	(erf) = vpow2.f32 v0  }
0x43: {  	v60 =	vpop (erf)  }
0x44: {  	v0 =	vmul.f32 v60, v59  }
0x45: {  	[tilespmem:s20+$0xA00] =	vst v2  }
0x46: {  	v61 =	vld [tilespmem:s18+$0x800];
	[tilespmem:s19+$0xA00] =	vst v0  }
0x47: {  	v0 =	vld [tilespmem:s21+$0x800];
	_ =	sdelay $0x2  }
0x48: {  	v62 =	vpop (erf)  }
0x49: {  	v1 =	vmul.f32 v62, v61;
	v63 =	vpop (erf)  }
0x4a: {  	s17 =	sadd.s32 $0x1, s17;
	v0 =	vmul.f32 v63, v0  }
0x4b: {  	p0 =	sne.s32 s17, s9;
	[tilespmem:s18+$0xA00] =	vst v1  }
.Ltmp1:
0x4c: {  	[tilespmem:s21+$0xA00] =	vst v0;
	(pc) =	sbr.rel @p0 .LBB2_1-.Ltmp1, $4  }
0x4d: {  	[hbm4b:s8+s4] =	stream.linear.scatter [tilespmem:s16], [sflag:$0x2], $0x200, $0x38;
	[tilespmem:$0xC00] =	vst v63  }
0x4e: {  	_ =	swait.ge [sflag:s10], $0x200  }
0x4f: {  	[sflag:s10] =	ssyncset.done $0x0  }
0x50: {  	[sflag:s10] =	ssyncadd.s32 $0xFFFFFE00  }
0x51: {  	_ =	sfence.sel $0x180000  }
0x52: {  	[bflag:$0x0] =	sbarrier.arrive $0xFFFF  }
0x53: {  	p0 =	sne.s32 s3, $0x0;
	_ =	strace $0x90000047  }
0x54: {  	s0 =	sadd.s32 @!p0 $0x100000, s0;
	[bflag:$0x2] =	sbarrier.arrive $0xFFFF  }
0x55: {  	[sflag:s0] =	ssyncadd.tile.s32 @!p0 $0x1;
	_ =	shalt  }
.Lfunc_end2:
_tile_overlayer_lowered:
.L_overlay_start_2:
0x56: {  	(tag) =	ssettag $0x2  }
0x57: {  	s0 =	rddreg [dreg:$0x0];
	s2 =	stileid.u32  }
0x58: {  	s1 =	rddreg [dreg:$0x1];
	p0 =	sne.s32 s2, $0x0  }
0x59: {  	s3 =	rddreg [dreg:$0x2];
	[bflag:$0x3] =	sbarrier.arrive $0xFFFF;
	s2 =	simm.s32 @!p0 $0x1C02  }
0x5a: {  	[timem:s3], [sflag:s2] =	dma.local @!p0 [hbm:s0], s1  }
0x5b: {  	s0 =	simm.s32 @!p0 $0x2  }
0x5c: {  	_ =	swait.ge @!p0 [sflag:s0], s1  }
0x5d: {  	s1 =	ssub.s32 @!p0 $0x0, s1;
	[sflag:s0] =	ssyncset.done @!p0 $0x0  }
0x5e: {  	[sflag:s0] =	ssyncadd.s32 @!p0 s1  }
0x5f: {  	[bflag:$0x3] =	sbarrier.arrive $0xFFFF  }
0x60: {  	_ =	shalt  }

</sc_bundles>
